<compile_context>
chip_gen: v7x
topology: tpu7x:2x2x1
jax: 0.10.2.dev20260603
libtpu: 0.0.44.dev20260713+nightly
codegen_flags: <defaults>
</compile_context>

<pallas_src>
import functools

import jax
import jax.numpy as jnp
from jax import lax
from jax.experimental import pallas as pl
from jax.experimental.pallas import tpu as pltpu
from jax.experimental.pallas import tpu_sc as plsc

_N = 10000
_E = 320000
_D = 128

_NC = 2
_NS = 16
_NW = _NC * _NS
_EPT = _E // _NW
_B = 80
_NB = _EPT // _B
_NP = 10240
_RPT = _NP // _NS



def _dense_body(x_ref, w1_ref, b1_ref, w2_ref, b2_ref, a1w_ref, a1b_ref,
                a2w_ref, a2b_ref, xi_ref, xj_ref, ai_ref, aj_ref):
    x = x_ref[:]
    dn = (((1,), (1,)), ((), ()))
    xi = jnp.maximum(
        lax.dot_general(x, w1_ref[:], dn, preferred_element_type=jnp.float32)
        + b1_ref[:], 0.0)
    xj = jnp.maximum(
        lax.dot_general(x, w2_ref[:], dn, preferred_element_type=jnp.float32)
        + b2_ref[:], 0.0)
    xi_ref[:] = xi
    xj_ref[:] = xj
    ai_ref[:] = jnp.dot(xi, a1w_ref[:],
                        preferred_element_type=jnp.float32) + a1b_ref[:]
    aj_ref[:] = jnp.dot(xj, a2w_ref[:],
                        preferred_element_type=jnp.float32) + a2b_ref[:]


def _dense(x0, W1, b1, W2, b2, a1_w, a1_b, a2_w, a2_b):
    bn = 1000
    grid = (_N // bn,)
    full = lambda shape: pl.BlockSpec(shape, lambda i: (0, 0))
    rows = lambda shape: pl.BlockSpec(shape, lambda i: (i, 0))
    return pl.pallas_call(
        _dense_body,
        grid=grid,
        in_specs=[
            rows((bn, _D)),
            full((_D, _D)), full((1, _D)),
            full((_D, _D)), full((1, _D)),
            full((_D, 1)), full((1, 1)),
            full((_D, 1)), full((1, 1)),
        ],
        out_specs=[
            rows((bn, _D)), rows((bn, _D)),
            rows((bn, 1)), rows((bn, 1)),
        ],
        out_shape=[
            jax.ShapeDtypeStruct((_N, _D), jnp.float32),
            jax.ShapeDtypeStruct((_N, _D), jnp.float32),
            jax.ShapeDtypeStruct((_N, 1), jnp.float32),
            jax.ShapeDtypeStruct((_N, 1), jnp.float32),
        ],
    )(x0, W1, b1.reshape(1, _D), W2, b2.reshape(1, _D),
      a1_w, a1_b.reshape(1, 1), a2_w, a2_b.reshape(1, 1))



def _edge_body(xj_hbm, ai_hbm, aj_hbm, row_hbm, col_hbm, zer_hbm,
               out0, out1,
               acc, ai_v, aj_v, ridx, cidx, att, rows, sem):
    c = lax.axis_index("c")
    s = lax.axis_index("s")
    w = s * _NC + c

    pltpu.sync_copy(ai_hbm, ai_v)
    pltpu.sync_copy(aj_hbm, aj_v)

    pltpu.sync_copy(zer_hbm, acc.at[pl.ds(s * _RPT, _RPT)])
    plsc.subcore_barrier()

    def block(blk, carry):
        base = w * _EPT + blk * _B
        pltpu.sync_copy(row_hbm.at[pl.ds(base, _B)], ridx)
        pltpu.sync_copy(col_hbm.at[pl.ds(base, _B)], cidx)
        pltpu.async_copy(xj_hbm.at[cidx], rows, sem).wait()
        for v in range(_B // 16):
            sl = pl.ds(v * 16, 16)
            r = ridx[sl]
            cc = cidx[sl]
            a = plsc.load_gather(ai_v, [r])
            b = plsc.load_gather(aj_v, [cc])
            att[sl] = 1.0 / (1.0 + jnp.exp(-(a + b)))

        def escale(e, cy):
            sv = plsc.load_gather(att, [jnp.full((16,), e, jnp.int32)])
            for j in range(_D // 16):
                fsl = pl.ds(j * 16, 16)
                rows[e, fsl] = rows[e, fsl] * sv
            return cy

        lax.fori_loop(0, _B, escale, 0)
        pltpu.sync_copy(rows, acc.at[ridx], add=True)
        return carry

    lax.fori_loop(0, _NB, block, 0)
    plsc.subcore_barrier()

    osl = pl.ds(s * _RPT, _RPT)

    @pl.when(c == 0)
    def _():
        pltpu.sync_copy(acc.at[osl], out0.at[osl])

    @pl.when(c == 1)
    def _():
        pltpu.sync_copy(acc.at[osl], out1.at[osl])


@functools.partial(
    pl.kernel,
    out_type=[jax.ShapeDtypeStruct((_NP, _D), jnp.float32)] * 2,
    mesh=plsc.VectorSubcoreMesh(core_axis_name="c", subcore_axis_name="s"),
    compiler_params=pltpu.CompilerParams(needs_layout_passes=False),
    scratch_types=[
        pltpu.VMEM_SHARED((_NP, _D), jnp.float32),
        pltpu.VMEM((_N,), jnp.float32),
        pltpu.VMEM((_N,), jnp.float32),
        pltpu.VMEM((_B,), jnp.int32),
        pltpu.VMEM((_B,), jnp.int32),
        pltpu.VMEM((_B,), jnp.float32),
        pltpu.VMEM((_B, _D), jnp.float32),
        pltpu.SemaphoreType.DMA,
    ],
)
def _edges(xj_hbm, ai_hbm, aj_hbm, row_hbm, col_hbm, zer_hbm, out0, out1,
           acc, ai_v, aj_v, ridx, cidx, att, rows, sem):
    _edge_body(xj_hbm, ai_hbm, aj_hbm, row_hbm, col_hbm, zer_hbm,
               out0, out1, acc, ai_v, aj_v, ridx, cidx, att, rows, sem)



def _add_body(xi_ref, p0_ref, p1_ref, o_ref):
    o_ref[:] = xi_ref[:] + p0_ref[:] + p1_ref[:]


def _final_add(xi, p0, p1):
    bn = 1000
    spec = pl.BlockSpec((bn, _D), lambda i: (i, 0))
    return pl.pallas_call(
        _add_body,
        grid=(_N // bn,),
        in_specs=[spec, spec, spec],
        out_specs=spec,
        out_shape=jax.ShapeDtypeStruct((_N, _D), jnp.float32),
    )(xi, p0, p1)



def kernel(x0, x1, W1, b1, W2, b2, a1_w, a1_b, a2_w, a2_b, edge_index):
    xi, xj, ai, aj = _dense(x0, W1, b1, W2, b2, a1_w, a1_b, a2_w, a2_b)
    ai = ai.reshape(_N)
    aj = aj.reshape(_N)
    row = edge_index[0]
    col = edge_index[1]
    zer = jnp.zeros((_RPT, _D), jnp.float32)
    p0, p1 = _edges(xj, ai, aj, row, col, zer)
    return _final_add(xi, p0, p1)

# --- scband reference (transcript-rebuilt; emitter-appended) ---
"""Pipeline reference for scband-satlayer-regular-43387759624741 (READ-ONLY COPY).

The authoritative reference and input builder live on the scoring server;
editing this copy changes nothing except your own understanding.
"""

import jax, jax.numpy as jnp
import numpy as np

N = 10000
E = 320000
D = 128

def setup_inputs(seed: int = 0) -> dict:
    key = jax.random.key(seed)
    ks = jax.random.split(key, 12)
    x0 = jax.random.normal(ks[0], (N, D), dtype=jnp.float32)
    x1 = jax.random.normal(ks[1], (N, D), dtype=jnp.float32)
    edge_index = jax.random.randint(ks[2], (2, E), 0, N, dtype=jnp.int32)
    s = 1.0 / np.sqrt(D)
    W1 = jax.random.uniform(ks[3], (D, D), minval=-s, maxval=s, dtype=jnp.float32)
    b1 = jax.random.uniform(ks[4], (D,), minval=-s, maxval=s, dtype=jnp.float32)
    W2 = jax.random.uniform(ks[5], (D, D), minval=-s, maxval=s, dtype=jnp.float32)
    b2 = jax.random.uniform(ks[6], (D,), minval=-s, maxval=s, dtype=jnp.float32)
    a1_w = jax.random.uniform(ks[7], (D, 1), minval=-s, maxval=s, dtype=jnp.float32)
    a1_b = jax.random.uniform(ks[8], (1,), minval=-s, maxval=s, dtype=jnp.float32)
    a2_w = jax.random.uniform(ks[9], (D, 1), minval=-s, maxval=s, dtype=jnp.float32)
    a2_b = jax.random.uniform(ks[10], (1,), minval=-s, maxval=s, dtype=jnp.float32)
    return {"x0": x0, "x1": x1, "W1": W1, "b1": b1, "W2": W2, "b2": b2,
            "a1_w": a1_w, "a1_b": a1_b, "a2_w": a2_w, "a2_b": a2_b,
            "edge_index": edge_index}

def reference(x0, x1, W1, b1, W2, b2, a1_w, a1_b, a2_w, a2_b, edge_index):
    # x2 is None branch of SATLayer_regular.forward; x1 is unused in this branch.
    xi_0 = jax.nn.relu(x0 @ W1.T + b1)
    xj_0 = jax.nn.relu(x0 @ W2.T + b2)
    ai_0 = (xi_0 @ a1_w + a1_b)[:, 0]  # [N]
    aj_0 = (xj_0 @ a2_w + a2_b)[:, 0]  # [N]
    # attention_agg: attention_v = sigmoid(a_i + a_j.T)[indices[0], indices[1]]
    row = edge_index[0]
    col = edge_index[1]
    att_v = jax.nn.sigmoid(ai_0[row] + aj_0[col])  # [E]
    # sparse.mm(attention, xj): out[row] += att_v * xj[col]
    msg = att_v[:, None] * xj_0[col]
    agg0 = jax.ops.segment_sum(msg, row, num_segments=x0.shape[0])
    return xi_0 + agg0

if __name__ == "__main__":
    import jax
    _d = setup_inputs()
    print(jax.jit(kernel)(*tuple(_d.values())))

</pallas_src>

<mosaic_0001>
#map = affine_map<(d0, d1) -> (0, 0)>
#map1 = affine_map<(d0, d1) -> (0)>
module attributes {stable_mosaic.version = 14 : i64} {
  func.func @_edges(%arg0: i32, %arg1: i32, %arg2: memref<10000x128xf32, #tpu.memory_space<hbm>>, %arg3: memref<10000xf32, #tpu.memory_space<hbm>>, %arg4: memref<10000xf32, #tpu.memory_space<hbm>>, %arg5: memref<320000xi32, #tpu.memory_space<hbm>>, %arg6: memref<320000xi32, #tpu.memory_space<hbm>>, %arg7: memref<640x128xf32, #tpu.memory_space<hbm>>, %arg8: memref<10240x128xf32, #tpu.memory_space<hbm>>, %arg9: memref<10240x128xf32, #tpu.memory_space<hbm>>, %arg10: memref<10240x128xf32, #tpu.memory_space<vmem_shared>>, %arg11: memref<10000xf32, #tpu.memory_space<vmem>>, %arg12: memref<10000xf32, #tpu.memory_space<vmem>>, %arg13: memref<80xi32, #tpu.memory_space<vmem>>, %arg14: memref<80xi32, #tpu.memory_space<vmem>>, %arg15: memref<80xf32, #tpu.memory_space<vmem>>, %arg16: memref<80x128xf32, #tpu.memory_space<vmem>>, %arg17: memref<!tpu.dma_semaphore, #tpu.memory_space<semaphore_mem>>) attributes {dimension_semantics = [#tpu.dimension_semantics<core_parallel>, #tpu.dimension_semantics<subcore_parallel>], iteration_bounds = array<i64: 2, 16>, scalar_prefetch = 0 : i64, scratch_operands = 8 : i64, tpu.core_type = #tpu.core_type<sc_vector_subcore>, window_params = [{transform_indices = #map}, {transform_indices = #map1}, {transform_indices = #map1}, {transform_indices = #map1}, {transform_indices = #map1}, {transform_indices = #map}, {transform_indices = #map}, {transform_indices = #map}]} {
    %mul3A = arith.constant 2 : i32
    %mul3A_0 = arith.muli %arg1, %mul3A : i32
    %add3A = arith.addi %mul3A_0, %arg0 : i32
    "tpu.region"() ({
      %run_scoped3A = tpu.sem_alloc : memref<!tpu.dma_semaphore, #tpu.memory_space<semaphore_mem>>
      tpu.enqueue_dma source(%arg3 : memref<10000xf32, #tpu.memory_space<hbm>>) target(%arg11 : memref<10000xf32, #tpu.memory_space<vmem>>) target_semaphore(%run_scoped3A : memref<!tpu.dma_semaphore, #tpu.memory_space<semaphore_mem>>)
      tpu.wait_dma2 semaphore(%run_scoped3A : memref<!tpu.dma_semaphore, #tpu.memory_space<semaphore_mem>>) src(%arg3 : memref<10000xf32, #tpu.memory_space<hbm>>) dst(%arg11 : memref<10000xf32, #tpu.memory_space<vmem>>)
      tpu.yield
    }) : () -> ()
    "tpu.region"() ({
      %run_scoped3A = tpu.sem_alloc : memref<!tpu.dma_semaphore, #tpu.memory_space<semaphore_mem>>
      tpu.enqueue_dma source(%arg4 : memref<10000xf32, #tpu.memory_space<hbm>>) target(%arg12 : memref<10000xf32, #tpu.memory_space<vmem>>) target_semaphore(%run_scoped3A : memref<!tpu.dma_semaphore, #tpu.memory_space<semaphore_mem>>)
      tpu.wait_dma2 semaphore(%run_scoped3A : memref<!tpu.dma_semaphore, #tpu.memory_space<semaphore_mem>>) src(%arg4 : memref<10000xf32, #tpu.memory_space<hbm>>) dst(%arg12 : memref<10000xf32, #tpu.memory_space<vmem>>)
      tpu.yield
    }) : () -> ()
    %mul3A_1 = arith.constant 640 : i32
    %mul3A_2 = arith.muli %arg1, %mul3A_1 : i32
    "tpu.region"() ({
      %run_scoped3A = tpu.sem_alloc : memref<!tpu.dma_semaphore, #tpu.memory_space<semaphore_mem>>
      %dma_start3A = arith.constant 0 : i32
      %dma_start3A_18 = tpu.memref_slice %arg10[%mul3A_2, %dma_start3A] : memref<10240x128xf32, #tpu.memory_space<vmem_shared>> -> memref<640x128xf32, #tpu.memory_space<vmem_shared>>
      tpu.enqueue_dma source(%arg7 : memref<640x128xf32, #tpu.memory_space<hbm>>) target(%dma_start3A_18 : memref<640x128xf32, #tpu.memory_space<vmem_shared>>) target_semaphore(%run_scoped3A : memref<!tpu.dma_semaphore, #tpu.memory_space<semaphore_mem>>)
      %dma_wait3A = arith.constant 0 : i32
      %dma_wait3A_19 = tpu.memref_slice %arg10[%mul3A_2, %dma_wait3A] : memref<10240x128xf32, #tpu.memory_space<vmem_shared>> -> memref<640x128xf32, #tpu.memory_space<vmem_shared>>
      tpu.wait_dma2 semaphore(%run_scoped3A : memref<!tpu.dma_semaphore, #tpu.memory_space<semaphore_mem>>) src(%arg7 : memref<640x128xf32, #tpu.memory_space<hbm>>) dst(%dma_wait3A_19 : memref<640x128xf32, #tpu.memory_space<vmem_shared>>)
      tpu.yield
    }) : () -> ()
    %barrier3A = arith.constant 0 : index
    tpu.barrier barrier_id(%barrier3A)
    %scan3A = arith.constant 0 : i32
    %scan3A_3 = arith.constant 0 : i32
    %scan3A_4 = arith.constant 125 : i32
    %scan3A_5 = arith.addi %scan3A_3, %scan3A_4 : i32
    %scan3A_6 = arith.constant 1 : i32
    scf.for %scan3A_18 = %scan3A_3 to %scan3A_5 step %scan3A_6  : i32 {
      %mul3A_19 = arith.constant 10000 : i32
      %mul3A_20 = arith.muli %add3A, %mul3A_19 : i32
      %mul3A_21 = arith.constant 80 : i32
      %mul3A_22 = arith.muli %scan3A_18, %mul3A_21 : i32
      %add3A_23 = arith.addi %mul3A_20, %mul3A_22 : i32
      "tpu.region"() ({
        %run_scoped3A = tpu.sem_alloc : memref<!tpu.dma_semaphore, #tpu.memory_space<semaphore_mem>>
        %dma_start3A_123 = tpu.memref_slice %arg5[%add3A_23] : memref<320000xi32, #tpu.memory_space<hbm>> -> memref<80xi32, #tpu.memory_space<hbm>>
        %dma_start3A_124 = tpu.memref_slice %arg5[%add3A_23] : memref<320000xi32, #tpu.memory_space<hbm>> -> memref<80xi32, #tpu.memory_space<hbm>>
        tpu.enqueue_dma source(%dma_start3A_124 : memref<80xi32, #tpu.memory_space<hbm>>) target(%arg13 : memref<80xi32, #tpu.memory_space<vmem>>) target_semaphore(%run_scoped3A : memref<!tpu.dma_semaphore, #tpu.memory_space<semaphore_mem>>)
        %dma_wait3A_125 = tpu.memref_slice %arg5[%add3A_23] : memref<320000xi32, #tpu.memory_space<hbm>> -> memref<80xi32, #tpu.memory_space<hbm>>
        %dma_wait3A_126 = tpu.memref_slice %arg5[%add3A_23] : memref<320000xi32, #tpu.memory_space<hbm>> -> memref<80xi32, #tpu.memory_space<hbm>>
        tpu.wait_dma2 semaphore(%run_scoped3A : memref<!tpu.dma_semaphore, #tpu.memory_space<semaphore_mem>>) src(%dma_wait3A_126 : memref<80xi32, #tpu.memory_space<hbm>>) dst(%arg13 : memref<80xi32, #tpu.memory_space<vmem>>)
        tpu.yield
      }) : () -> ()
      "tpu.region"() ({
        %run_scoped3A = tpu.sem_alloc : memref<!tpu.dma_semaphore, #tpu.memory_space<semaphore_mem>>
        %dma_start3A_123 = tpu.memref_slice %arg6[%add3A_23] : memref<320000xi32, #tpu.memory_space<hbm>> -> memref<80xi32, #tpu.memory_space<hbm>>
        %dma_start3A_124 = tpu.memref_slice %arg6[%add3A_23] : memref<320000xi32, #tpu.memory_space<hbm>> -> memref<80xi32, #tpu.memory_space<hbm>>
        tpu.enqueue_dma source(%dma_start3A_124 : memref<80xi32, #tpu.memory_space<hbm>>) target(%arg14 : memref<80xi32, #tpu.memory_space<vmem>>) target_semaphore(%run_scoped3A : memref<!tpu.dma_semaphore, #tpu.memory_space<semaphore_mem>>)
        %dma_wait3A_125 = tpu.memref_slice %arg6[%add3A_23] : memref<320000xi32, #tpu.memory_space<hbm>> -> memref<80xi32, #tpu.memory_space<hbm>>
        %dma_wait3A_126 = tpu.memref_slice %arg6[%add3A_23] : memref<320000xi32, #tpu.memory_space<hbm>> -> memref<80xi32, #tpu.memory_space<hbm>>
        tpu.wait_dma2 semaphore(%run_scoped3A : memref<!tpu.dma_semaphore, #tpu.memory_space<semaphore_mem>>) src(%dma_wait3A_126 : memref<80xi32, #tpu.memory_space<hbm>>) dst(%arg14 : memref<80xi32, #tpu.memory_space<vmem>>)
        tpu.yield
      }) : () -> ()
      %dma_start3A = arith.constant 0 : i32
      %dma_start3A_24 = arith.constant 0 : i32
      %dma_start3A_25 = tpu.memref_slice %arg2[%dma_start3A, %dma_start3A_24] : memref<10000x128xf32, #tpu.memory_space<hbm>> -> memref<10000x128xf32, #tpu.memory_space<hbm>>
      tpu.enqueue_indirect_dma source(%dma_start3A_25 : memref<10000x128xf32, #tpu.memory_space<hbm>>) target(%arg16 : memref<80x128xf32, #tpu.memory_space<vmem>>) offsets(%arg14 : memref<80xi32, #tpu.memory_space<vmem>>) semaphore(%arg17 : memref<!tpu.dma_semaphore, #tpu.memory_space<semaphore_mem>>)
      %dma_wait3A = arith.constant 0 : i32
      %dma_wait3A_26 = arith.constant 0 : i32
      %dma_wait3A_27 = tpu.memref_slice %arg2[%dma_wait3A, %dma_wait3A_26] : memref<10000x128xf32, #tpu.memory_space<hbm>> -> memref<10000x128xf32, #tpu.memory_space<hbm>>
      tpu.wait_indirect_dma semaphore(%arg17 : memref<!tpu.dma_semaphore, #tpu.memory_space<semaphore_mem>>) src(%dma_wait3A_27 : memref<10000x128xf32, #tpu.memory_space<hbm>>) dst(%arg16 : memref<80x128xf32, #tpu.memory_space<vmem>>)
      %get3A = arith.constant 0 : index
      %get3A_28 = tpu.vector_load %arg13[%get3A] {strides = array<i32>} : memref<80xi32, #tpu.memory_space<vmem>>, vector<16xi32>,
      %get3A_29 = arith.constant 0 : index
      %get3A_30 = tpu.vector_load %arg14[%get3A_29] {strides = array<i32>} : memref<80xi32, #tpu.memory_space<vmem>>, vector<16xi32>,
      %gather3A = tpu.vector_load_idx %arg11[%get3A_28] : memref<10000xf32, #tpu.memory_space<vmem>>[vector<16xi32>], vector<16xf32>,
      %gather3A_31 = tpu.vector_load_idx %arg12[%get3A_30] : memref<10000xf32, #tpu.memory_space<vmem>>[vector<16xi32>], vector<16xf32>,
      %add3A_32 = arith.addf %gather3A, %gather3A_31 : vector<16xf32>
      %neg3A = arith.constant 0.000000e+00 : f32
      %neg3A_33 = vector.broadcast %neg3A : f32 to vector<16xf32>
      %neg3A_34 = arith.subf %neg3A_33, %add3A_32 : vector<16xf32>
      %exp3A = math.exp %neg3A_34 : vector<16xf32>
      %add3A_35 = arith.constant 1.000000e+00 : f32
      %add3A_36 = vector.broadcast %add3A_35 : f32 to vector<16xf32>
      %add3A_37 = arith.addf %add3A_36, %exp3A : vector<16xf32>
      %div3A = arith.constant 1.000000e+00 : f32
      %div3A_38 = vector.broadcast %div3A : f32 to vector<16xf32>
      %div3A_39 = arith.divf %div3A_38, %add3A_37 : vector<16xf32>
      %swap3A = arith.constant 0 : index
      %swap3A_40 = tpu.vector_load %arg15[%swap3A] {strides = array<i32>} : memref<80xf32, #tpu.memory_space<vmem>>, vector<16xf32>,
      tpu.vector_store %arg15[%swap3A], %div3A_39 {strides = array<i32>} : memref<80xf32, #tpu.memory_space<vmem>>, vector<16xf32>,
      %get3A_41 = arith.constant 16 : index
      %get3A_42 = tpu.vector_load %arg13[%get3A_41] {strides = array<i32>} : memref<80xi32, #tpu.memory_space<vmem>>, vector<16xi32>,
      %get3A_43 = arith.constant 16 : index
      %get3A_44 = tpu.vector_load %arg14[%get3A_43] {strides = array<i32>} : memref<80xi32, #tpu.memory_space<vmem>>, vector<16xi32>,
      %gather3A_45 = tpu.vector_load_idx %arg11[%get3A_42] : memref<10000xf32, #tpu.memory_space<vmem>>[vector<16xi32>], vector<16xf32>,
      %gather3A_46 = tpu.vector_load_idx %arg12[%get3A_44] : memref<10000xf32, #tpu.memory_space<vmem>>[vector<16xi32>], vector<16xf32>,
      %add3A_47 = arith.addf %gather3A_45, %gather3A_46 : vector<16xf32>
      %neg3A_48 = arith.constant 0.000000e+00 : f32
      %neg3A_49 = vector.broadcast %neg3A_48 : f32 to vector<16xf32>
      %neg3A_50 = arith.subf %neg3A_49, %add3A_47 : vector<16xf32>
      %exp3A_51 = math.exp %neg3A_50 : vector<16xf32>
      %add3A_52 = arith.constant 1.000000e+00 : f32
      %add3A_53 = vector.broadcast %add3A_52 : f32 to vector<16xf32>
      %add3A_54 = arith.addf %add3A_53, %exp3A_51 : vector<16xf32>
      %div3A_55 = arith.constant 1.000000e+00 : f32
      %div3A_56 = vector.broadcast %div3A_55 : f32 to vector<16xf32>
      %div3A_57 = arith.divf %div3A_56, %add3A_54 : vector<16xf32>
      %swap3A_58 = arith.constant 16 : index
      %swap3A_59 = tpu.vector_load %arg15[%swap3A_58] {strides = array<i32>} : memref<80xf32, #tpu.memory_space<vmem>>, vector<16xf32>,
      tpu.vector_store %arg15[%swap3A_58], %div3A_57 {strides = array<i32>} : memref<80xf32, #tpu.memory_space<vmem>>, vector<16xf32>,
      %get3A_60 = arith.constant 32 : index
      %get3A_61 = tpu.vector_load %arg13[%get3A_60] {strides = array<i32>} : memref<80xi32, #tpu.memory_space<vmem>>, vector<16xi32>,
      %get3A_62 = arith.constant 32 : index
      %get3A_63 = tpu.vector_load %arg14[%get3A_62] {strides = array<i32>} : memref<80xi32, #tpu.memory_space<vmem>>, vector<16xi32>,
      %gather3A_64 = tpu.vector_load_idx %arg11[%get3A_61] : memref<10000xf32, #tpu.memory_space<vmem>>[vector<16xi32>], vector<16xf32>,
      %gather3A_65 = tpu.vector_load_idx %arg12[%get3A_63] : memref<10000xf32, #tpu.memory_space<vmem>>[vector<16xi32>], vector<16xf32>,
      %add3A_66 = arith.addf %gather3A_64, %gather3A_65 : vector<16xf32>
      %neg3A_67 = arith.constant 0.000000e+00 : f32
      %neg3A_68 = vector.broadcast %neg3A_67 : f32 to vector<16xf32>
      %neg3A_69 = arith.subf %neg3A_68, %add3A_66 : vector<16xf32>
      %exp3A_70 = math.exp %neg3A_69 : vector<16xf32>
      %add3A_71 = arith.constant 1.000000e+00 : f32
      %add3A_72 = vector.broadcast %add3A_71 : f32 to vector<16xf32>
      %add3A_73 = arith.addf %add3A_72, %exp3A_70 : vector<16xf32>
      %div3A_74 = arith.constant 1.000000e+00 : f32
      %div3A_75 = vector.broadcast %div3A_74 : f32 to vector<16xf32>
      %div3A_76 = arith.divf %div3A_75, %add3A_73 : vector<16xf32>
      %swap3A_77 = arith.constant 32 : index
      %swap3A_78 = tpu.vector_load %arg15[%swap3A_77] {strides = array<i32>} : memref<80xf32, #tpu.memory_space<vmem>>, vector<16xf32>,
      tpu.vector_store %arg15[%swap3A_77], %div3A_76 {strides = array<i32>} : memref<80xf32, #tpu.memory_space<vmem>>, vector<16xf32>,
      %get3A_79 = arith.constant 48 : index
      %get3A_80 = tpu.vector_load %arg13[%get3A_79] {strides = array<i32>} : memref<80xi32, #tpu.memory_space<vmem>>, vector<16xi32>,
      %get3A_81 = arith.constant 48 : index
      %get3A_82 = tpu.vector_load %arg14[%get3A_81] {strides = array<i32>} : memref<80xi32, #tpu.memory_space<vmem>>, vector<16xi32>,
      %gather3A_83 = tpu.vector_load_idx %arg11[%get3A_80] : memref<10000xf32, #tpu.memory_space<vmem>>[vector<16xi32>], vector<16xf32>,
      %gather3A_84 = tpu.vector_load_idx %arg12[%get3A_82] : memref<10000xf32, #tpu.memory_space<vmem>>[vector<16xi32>], vector<16xf32>,
      %add3A_85 = arith.addf %gather3A_83, %gather3A_84 : vector<16xf32>
      %neg3A_86 = arith.constant 0.000000e+00 : f32
      %neg3A_87 = vector.broadcast %neg3A_86 : f32 to vector<16xf32>
      %neg3A_88 = arith.subf %neg3A_87, %add3A_85 : vector<16xf32>
      %exp3A_89 = math.exp %neg3A_88 : vector<16xf32>
      %add3A_90 = arith.constant 1.000000e+00 : f32
      %add3A_91 = vector.broadcast %add3A_90 : f32 to vector<16xf32>
      %add3A_92 = arith.addf %add3A_91, %exp3A_89 : vector<16xf32>
      %div3A_93 = arith.constant 1.000000e+00 : f32
      %div3A_94 = vector.broadcast %div3A_93 : f32 to vector<16xf32>
      %div3A_95 = arith.divf %div3A_94, %add3A_92 : vector<16xf32>
      %swap3A_96 = arith.constant 48 : index
      %swap3A_97 = tpu.vector_load %arg15[%swap3A_96] {strides = array<i32>} : memref<80xf32, #tpu.memory_space<vmem>>, vector<16xf32>,
      tpu.vector_store %arg15[%swap3A_96], %div3A_95 {strides = array<i32>} : memref<80xf32, #tpu.memory_space<vmem>>, vector<16xf32>,
      %get3A_98 = arith.constant 64 : index
      %get3A_99 = tpu.vector_load %arg13[%get3A_98] {strides = array<i32>} : memref<80xi32, #tpu.memory_space<vmem>>, vector<16xi32>,
      %get3A_100 = arith.constant 64 : index
      %get3A_101 = tpu.vector_load %arg14[%get3A_100] {strides = array<i32>} : memref<80xi32, #tpu.memory_space<vmem>>, vector<16xi32>,
      %gather3A_102 = tpu.vector_load_idx %arg11[%get3A_99] : memref<10000xf32, #tpu.memory_space<vmem>>[vector<16xi32>], vector<16xf32>,
      %gather3A_103 = tpu.vector_load_idx %arg12[%get3A_101] : memref<10000xf32, #tpu.memory_space<vmem>>[vector<16xi32>], vector<16xf32>,
      %add3A_104 = arith.addf %gather3A_102, %gather3A_103 : vector<16xf32>
      %neg3A_105 = arith.constant 0.000000e+00 : f32
      %neg3A_106 = vector.broadcast %neg3A_105 : f32 to vector<16xf32>
      %neg3A_107 = arith.subf %neg3A_106, %add3A_104 : vector<16xf32>
      %exp3A_108 = math.exp %neg3A_107 : vector<16xf32>
      %add3A_109 = arith.constant 1.000000e+00 : f32
      %add3A_110 = vector.broadcast %add3A_109 : f32 to vector<16xf32>
      %add3A_111 = arith.addf %add3A_110, %exp3A_108 : vector<16xf32>
      %div3A_112 = arith.constant 1.000000e+00 : f32
      %div3A_113 = vector.broadcast %div3A_112 : f32 to vector<16xf32>
      %div3A_114 = arith.divf %div3A_113, %add3A_111 : vector<16xf32>
      %swap3A_115 = arith.constant 64 : index
      %swap3A_116 = tpu.vector_load %arg15[%swap3A_115] {strides = array<i32>} : memref<80xf32, #tpu.memory_space<vmem>>, vector<16xf32>,
      tpu.vector_store %arg15[%swap3A_115], %div3A_114 {strides = array<i32>} : memref<80xf32, #tpu.memory_space<vmem>>, vector<16xf32>,
      %scan3A_117 = arith.constant 0 : i32
      %scan3A_118 = arith.constant 0 : i32
      %scan3A_119 = arith.constant 80 : i32
      %scan3A_120 = arith.addi %scan3A_118, %scan3A_119 : i32
      %scan3A_121 = arith.constant 1 : i32
      scf.for %scan3A_123 = %scan3A_118 to %scan3A_120 step %scan3A_121  : i32 {
        %broadcast_in_dim3A = vector.broadcast %scan3A_123 : i32 to vector<16xi32>
        %gather3A_124 = tpu.vector_load_idx %arg15[%broadcast_in_dim3A] : memref<80xf32, #tpu.memory_space<vmem>>[vector<16xi32>], vector<16xf32>,
        %get3A_125 = arith.index_cast %scan3A_123 : i32 to index
        %get3A_126 = arith.constant 0 : index
        %get3A_127 = tpu.vector_load %arg16[%get3A_125, %get3A_126] {strides = array<i32>} : memref<80x128xf32, #tpu.memory_space<vmem>>, vector<16xf32>,
        %mul3A_128 = arith.mulf %get3A_127, %gather3A_124 : vector<16xf32>
        %swap3A_129 = arith.index_cast %scan3A_123 : i32 to index
        %swap3A_130 = arith.constant 0 : index
        %swap3A_131 = tpu.vector_load %arg16[%swap3A_129, %swap3A_130] {strides = array<i32>} : memref<80x128xf32, #tpu.memory_space<vmem>>, vector<16xf32>,
        tpu.vector_store %arg16[%swap3A_129, %swap3A_130], %mul3A_128 {strides = array<i32>} : memref<80x128xf32, #tpu.memory_space<vmem>>, vector<16xf32>,
        %get3A_132 = arith.index_cast %scan3A_123 : i32 to index
        %get3A_133 = arith.constant 16 : index
        %get3A_134 = tpu.vector_load %arg16[%get3A_132, %get3A_133] {strides = array<i32>} : memref<80x128xf32, #tpu.memory_space<vmem>>, vector<16xf32>,
        %mul3A_135 = arith.mulf %get3A_134, %gather3A_124 : vector<16xf32>
        %swap3A_136 = arith.index_cast %scan3A_123 : i32 to index
        %swap3A_137 = arith.constant 16 : index
        %swap3A_138 = tpu.vector_load %arg16[%swap3A_136, %swap3A_137] {strides = array<i32>} : memref<80x128xf32, #tpu.memory_space<vmem>>, vector<16xf32>,
        tpu.vector_store %arg16[%swap3A_136, %swap3A_137], %mul3A_135 {strides = array<i32>} : memref<80x128xf32, #tpu.memory_space<vmem>>, vector<16xf32>,
        %get3A_139 = arith.index_cast %scan3A_123 : i32 to index
        %get3A_140 = arith.constant 32 : index
        %get3A_141 = tpu.vector_load %arg16[%get3A_139, %get3A_140] {strides = array<i32>} : memref<80x128xf32, #tpu.memory_space<vmem>>, vector<16xf32>,
        %mul3A_142 = arith.mulf %get3A_141, %gather3A_124 : vector<16xf32>
        %swap3A_143 = arith.index_cast %scan3A_123 : i32 to index
        %swap3A_144 = arith.constant 32 : index
        %swap3A_145 = tpu.vector_load %arg16[%swap3A_143, %swap3A_144] {strides = array<i32>} : memref<80x128xf32, #tpu.memory_space<vmem>>, vector<16xf32>,
        tpu.vector_store %arg16[%swap3A_143, %swap3A_144], %mul3A_142 {strides = array<i32>} : memref<80x128xf32, #tpu.memory_space<vmem>>, vector<16xf32>,
        %get3A_146 = arith.index_cast %scan3A_123 : i32 to index
        %get3A_147 = arith.constant 48 : index
        %get3A_148 = tpu.vector_load %arg16[%get3A_146, %get3A_147] {strides = array<i32>} : memref<80x128xf32, #tpu.memory_space<vmem>>, vector<16xf32>,
        %mul3A_149 = arith.mulf %get3A_148, %gather3A_124 : vector<16xf32>
        %swap3A_150 = arith.index_cast %scan3A_123 : i32 to index
        %swap3A_151 = arith.constant 48 : index
        %swap3A_152 = tpu.vector_load %arg16[%swap3A_150, %swap3A_151] {strides = array<i32>} : memref<80x128xf32, #tpu.memory_space<vmem>>, vector<16xf32>,
        tpu.vector_store %arg16[%swap3A_150, %swap3A_151], %mul3A_149 {strides = array<i32>} : memref<80x128xf32, #tpu.memory_space<vmem>>, vector<16xf32>,
        %get3A_153 = arith.index_cast %scan3A_123 : i32 to index
        %get3A_154 = arith.constant 64 : index
        %get3A_155 = tpu.vector_load %arg16[%get3A_153, %get3A_154] {strides = array<i32>} : memref<80x128xf32, #tpu.memory_space<vmem>>, vector<16xf32>,
        %mul3A_156 = arith.mulf %get3A_155, %gather3A_124 : vector<16xf32>
        %swap3A_157 = arith.index_cast %scan3A_123 : i32 to index
        %swap3A_158 = arith.constant 64 : index
        %swap3A_159 = tpu.vector_load %arg16[%swap3A_157, %swap3A_158] {strides = array<i32>} : memref<80x128xf32, #tpu.memory_space<vmem>>, vector<16xf32>,
        tpu.vector_store %arg16[%swap3A_157, %swap3A_158], %mul3A_156 {strides = array<i32>} : memref<80x128xf32, #tpu.memory_space<vmem>>, vector<16xf32>,
        %get3A_160 = arith.index_cast %scan3A_123 : i32 to index
        %get3A_161 = arith.constant 80 : index
        %get3A_162 = tpu.vector_load %arg16[%get3A_160, %get3A_161] {strides = array<i32>} : memref<80x128xf32, #tpu.memory_space<vmem>>, vector<16xf32>,
        %mul3A_163 = arith.mulf %get3A_162, %gather3A_124 : vector<16xf32>
        %swap3A_164 = arith.index_cast %scan3A_123 : i32 to index
        %swap3A_165 = arith.constant 80 : index
        %swap3A_166 = tpu.vector_load %arg16[%swap3A_164, %swap3A_165] {strides = array<i32>} : memref<80x128xf32, #tpu.memory_space<vmem>>, vector<16xf32>,
        tpu.vector_store %arg16[%swap3A_164, %swap3A_165], %mul3A_163 {strides = array<i32>} : memref<80x128xf32, #tpu.memory_space<vmem>>, vector<16xf32>,
        %get3A_167 = arith.index_cast %scan3A_123 : i32 to index
        %get3A_168 = arith.constant 96 : index
        %get3A_169 = tpu.vector_load %arg16[%get3A_167, %get3A_168] {strides = array<i32>} : memref<80x128xf32, #tpu.memory_space<vmem>>, vector<16xf32>,
        %mul3A_170 = arith.mulf %get3A_169, %gather3A_124 : vector<16xf32>
        %swap3A_171 = arith.index_cast %scan3A_123 : i32 to index
        %swap3A_172 = arith.constant 96 : index
        %swap3A_173 = tpu.vector_load %arg16[%swap3A_171, %swap3A_172] {strides = array<i32>} : memref<80x128xf32, #tpu.memory_space<vmem>>, vector<16xf32>,
        tpu.vector_store %arg16[%swap3A_171, %swap3A_172], %mul3A_170 {strides = array<i32>} : memref<80x128xf32, #tpu.memory_space<vmem>>, vector<16xf32>,
        %get3A_174 = arith.index_cast %scan3A_123 : i32 to index
        %get3A_175 = arith.constant 112 : index
        %get3A_176 = tpu.vector_load %arg16[%get3A_174, %get3A_175] {strides = array<i32>} : memref<80x128xf32, #tpu.memory_space<vmem>>, vector<16xf32>,
        %mul3A_177 = arith.mulf %get3A_176, %gather3A_124 : vector<16xf32>
        %swap3A_178 = arith.index_cast %scan3A_123 : i32 to index
        %swap3A_179 = arith.constant 112 : index
        %swap3A_180 = tpu.vector_load %arg16[%swap3A_178, %swap3A_179] {strides = array<i32>} : memref<80x128xf32, #tpu.memory_space<vmem>>, vector<16xf32>,
        tpu.vector_store %arg16[%swap3A_178, %swap3A_179], %mul3A_177 {strides = array<i32>} : memref<80x128xf32, #tpu.memory_space<vmem>>, vector<16xf32>,
      }
      %scan3A_122 = arith.constant 80 : i32
      "tpu.region"() ({
        %run_scoped3A = tpu.sem_alloc : memref<!tpu.dma_semaphore, #tpu.memory_space<semaphore_mem>>
        %dma_start3A_123 = arith.constant 0 : i32
        %dma_start3A_124 = arith.constant 0 : i32
        %dma_start3A_125 = tpu.memref_slice %arg10[%dma_start3A_123, %dma_start3A_124] : memref<10240x128xf32, #tpu.memory_space<vmem_shared>> -> memref<10240x128xf32, #tpu.memory_space<vmem_shared>>
        tpu.enqueue_indirect_dma source(%arg16 : memref<80x128xf32, #tpu.memory_space<vmem>>) target(%dma_start3A_125 : memref<10240x128xf32, #tpu.memory_space<vmem_shared>>) offsets(%arg13 : memref<80xi32, #tpu.memory_space<vmem>>) semaphore(%run_scoped3A : memref<!tpu.dma_semaphore, #tpu.memory_space<semaphore_mem>>) {add = true}
        %dma_wait3A_126 = arith.constant 0 : i32
        %dma_wait3A_127 = arith.constant 0 : i32
        %dma_wait3A_128 = tpu.memref_slice %arg10[%dma_wait3A_126, %dma_wait3A_127] : memref<10240x128xf32, #tpu.memory_space<vmem_shared>> -> memref<10240x128xf32, #tpu.memory_space<vmem_shared>>
        tpu.wait_indirect_dma semaphore(%run_scoped3A : memref<!tpu.dma_semaphore, #tpu.memory_space<semaphore_mem>>) src(%arg16 : memref<80x128xf32, #tpu.memory_space<vmem>>) dst(%dma_wait3A_128 : memref<10240x128xf32, #tpu.memory_space<vmem_shared>>)
        tpu.yield
      }) : () -> ()
    }
    %scan3A_7 = arith.constant 125 : i32
    %barrier3A_8 = arith.constant 0 : index
    tpu.barrier barrier_id(%barrier3A_8)
    %mul3A_9 = arith.constant 640 : i32
    %mul3A_10 = arith.muli %arg1, %mul3A_9 : i32
    %eq3A = arith.constant 0 : i32
    %eq3A_11 = arith.cmpi eq, %arg0, %eq3A : i32
    %convert_element_type3A = arith.extui %eq3A_11 : i1 to i32
    %cond3A = arith.constant 0 : i32
    %cond3A_12 = arith.cmpi ne, %convert_element_type3A, %cond3A : i32
    scf.if %cond3A_12 {
      "tpu.region"() ({
        %run_scoped3A = tpu.sem_alloc : memref<!tpu.dma_semaphore, #tpu.memory_space<semaphore_mem>>
        %dma_start3A = arith.constant 0 : i32
        %dma_start3A_18 = tpu.memref_slice %arg8[%mul3A_10, %dma_start3A] : memref<10240x128xf32, #tpu.memory_space<hbm>> -> memref<640x128xf32, #tpu.memory_space<hbm>>
        %dma_start3A_19 = arith.constant 0 : i32
        %dma_start3A_20 = tpu.memref_slice %arg10[%mul3A_10, %dma_start3A_19] : memref<10240x128xf32, #tpu.memory_space<vmem_shared>> -> memref<640x128xf32, #tpu.memory_space<vmem_shared>>
        tpu.enqueue_dma source(%dma_start3A_20 : memref<640x128xf32, #tpu.memory_space<vmem_shared>>) target(%dma_start3A_18 : memref<640x128xf32, #tpu.memory_space<hbm>>) target_semaphore(%run_scoped3A : memref<!tpu.dma_semaphore, #tpu.memory_space<semaphore_mem>>)
        %dma_wait3A = arith.constant 0 : i32
        %dma_wait3A_21 = tpu.memref_slice %arg8[%mul3A_10, %dma_wait3A] : memref<10240x128xf32, #tpu.memory_space<hbm>> -> memref<640x128xf32, #tpu.memory_space<hbm>>
        %dma_wait3A_22 = arith.constant 0 : i32
        %dma_wait3A_23 = tpu.memref_slice %arg10[%mul3A_10, %dma_wait3A_22] : memref<10240x128xf32, #tpu.memory_space<vmem_shared>> -> memref<640x128xf32, #tpu.memory_space<vmem_shared>>
        tpu.wait_dma2 semaphore(%run_scoped3A : memref<!tpu.dma_semaphore, #tpu.memory_space<semaphore_mem>>) src(%dma_wait3A_23 : memref<640x128xf32, #tpu.memory_space<vmem_shared>>) dst(%dma_wait3A_21 : memref<640x128xf32, #tpu.memory_space<hbm>>)
        tpu.yield
      }) : () -> ()
    } else {
    }
    %eq3A_13 = arith.constant 1 : i32
    %eq3A_14 = arith.cmpi eq, %arg0, %eq3A_13 : i32
    %convert_element_type3A_15 = arith.extui %eq3A_14 : i1 to i32
    %cond3A_16 = arith.constant 0 : i32
    %cond3A_17 = arith.cmpi ne, %convert_element_type3A_15, %cond3A_16 : i32
    scf.if %cond3A_17 {
      "tpu.region"() ({
        %run_scoped3A = tpu.sem_alloc : memref<!tpu.dma_semaphore, #tpu.memory_space<semaphore_mem>>
        %dma_start3A = arith.constant 0 : i32
        %dma_start3A_18 = tpu.memref_slice %arg9[%mul3A_10, %dma_start3A] : memref<10240x128xf32, #tpu.memory_space<hbm>> -> memref<640x128xf32, #tpu.memory_space<hbm>>
        %dma_start3A_19 = arith.constant 0 : i32
        %dma_start3A_20 = tpu.memref_slice %arg10[%mul3A_10, %dma_start3A_19] : memref<10240x128xf32, #tpu.memory_space<vmem_shared>> -> memref<640x128xf32, #tpu.memory_space<vmem_shared>>
        tpu.enqueue_dma source(%dma_start3A_20 : memref<640x128xf32, #tpu.memory_space<vmem_shared>>) target(%dma_start3A_18 : memref<640x128xf32, #tpu.memory_space<hbm>>) target_semaphore(%run_scoped3A : memref<!tpu.dma_semaphore, #tpu.memory_space<semaphore_mem>>)
        %dma_wait3A = arith.constant 0 : i32
        %dma_wait3A_21 = tpu.memref_slice %arg9[%mul3A_10, %dma_wait3A] : memref<10240x128xf32, #tpu.memory_space<hbm>> -> memref<640x128xf32, #tpu.memory_space<hbm>>
        %dma_wait3A_22 = arith.constant 0 : i32
        %dma_wait3A_23 = tpu.memref_slice %arg10[%mul3A_10, %dma_wait3A_22] : memref<10240x128xf32, #tpu.memory_space<vmem_shared>> -> memref<640x128xf32, #tpu.memory_space<vmem_shared>>
        tpu.wait_dma2 semaphore(%run_scoped3A : memref<!tpu.dma_semaphore, #tpu.memory_space<semaphore_mem>>) src(%dma_wait3A_23 : memref<640x128xf32, #tpu.memory_space<vmem_shared>>) dst(%dma_wait3A_21 : memref<640x128xf32, #tpu.memory_space<hbm>>)
        tpu.yield
      }) : () -> ()
    } else {
    }
    return
  }
}

module attributes {stable_mosaic.version = 14 : i64} {
  func.func @_dense_body(%arg0: i32, %arg1: memref<1000x128xf32, #tpu.memory_space<vmem>>, %arg2: memref<128x128xf32, #tpu.memory_space<vmem>>, %arg3: memref<1x128xf32, #tpu.memory_space<vmem>>, %arg4: memref<128x128xf32, #tpu.memory_space<vmem>>, %arg5: memref<1x128xf32, #tpu.memory_space<vmem>>, %arg6: memref<128x1xf32, #tpu.memory_space<vmem>>, %arg7: memref<1x1xf32, #tpu.memory_space<vmem>>, %arg8: memref<128x1xf32, #tpu.memory_space<vmem>>, %arg9: memref<1x1xf32, #tpu.memory_space<vmem>>, %arg10: memref<1000x128xf32, #tpu.memory_space<vmem>>, %arg11: memref<1000x128xf32, #tpu.memory_space<vmem>>, %arg12: memref<1000x1xf32, #tpu.memory_space<vmem>>, %arg13: memref<1000x1xf32, #tpu.memory_space<vmem>>) attributes {dimension_semantics = [#tpu.dimension_semantics<arbitrary>], iteration_bounds = array<i64: 10>, scalar_prefetch = 0 : i64, scratch_operands = 0 : i64, tpu.core_type = #tpu.core_type<tc>, window_params = [{transform_indices = @transform_0, window_bounds = array<i64: 1000, 128>}, {pipeline_mode = #tpu.pipeline_mode<synchronous>, transform_indices = @transform_1, window_bounds = array<i64: 128, 128>}, {pipeline_mode = #tpu.pipeline_mode<synchronous>, transform_indices = @transform_2, window_bounds = array<i64: 1, 128>}, {pipeline_mode = #tpu.pipeline_mode<synchronous>, transform_indices = @transform_3, window_bounds = array<i64: 128, 128>}, {pipeline_mode = #tpu.pipeline_mode<synchronous>, transform_indices = @transform_4, window_bounds = array<i64: 1, 128>}, {pipeline_mode = #tpu.pipeline_mode<synchronous>, transform_indices = @transform_5, window_bounds = array<i64: 128, 1>}, {pipeline_mode = #tpu.pipeline_mode<synchronous>, transform_indices = @transform_6, window_bounds = array<i64: 1, 1>}, {pipeline_mode = #tpu.pipeline_mode<synchronous>, transform_indices = @transform_7, window_bounds = array<i64: 128, 1>}, {pipeline_mode = #tpu.pipeline_mode<synchronous>, transform_indices = @transform_8, window_bounds = array<i64: 1, 1>}, {transform_indices = @transform_9, window_bounds = array<i64: 1000, 128>}, {transform_indices = @transform_10, window_bounds = array<i64: 1000, 128>}, {transform_indices = @transform_11, window_bounds = array<i64: 1000, 1>}, {transform_indices = @transform_12, window_bounds = array<i64: 1000, 1>}]} {
    %get3A = arith.constant 0 : index
    %get3A_0 = arith.constant 0 : index
    %get3A_1 = vector.load %arg1[%get3A, %get3A_0] : memref<1000x128xf32, #tpu.memory_space<vmem>>, vector<1000x128xf32>
    %get3A_2 = arith.constant 0 : index
    %get3A_3 = arith.constant 0 : index
    %get3A_4 = vector.load %arg2[%get3A_2, %get3A_3] : memref<128x128xf32, #tpu.memory_space<vmem>>, vector<128x128xf32>
    %dot_general3A = arith.constant dense<0.000000e+00> : vector<1000x128xf32>
    %dot_general3A_5 = tpu.matmul %get3A_1, %get3A_4, %dot_general3A {dimension_numbers = #tpu.dot_dimension_numbers<[1], [1], [0], [0], [0, 0, 1, 0], [], []>, transpose_lhs_hint = false} : vector<1000x128xf32>, vector<128x128xf32>, vector<1000x128xf32> -> vector<1000x128xf32>
    %get3A_6 = arith.constant 0 : index
    %get3A_7 = arith.constant 0 : index
    %get3A_8 = vector.load %arg3[%get3A_6, %get3A_7] : memref<1x128xf32, #tpu.memory_space<vmem>>, vector<1x128xf32>
    %add3A = vector.broadcast %get3A_8 : vector<1x128xf32> to vector<1000x128xf32>
    %add3A_9 = arith.addf %dot_general3A_5, %add3A : vector<1000x128xf32>
    %max3A = arith.constant 0.000000e+00 : f32
    %max3A_10 = vector.broadcast %max3A : f32 to vector<1000x128xf32>
    %max3A_11 = arith.maximumf %add3A_9, %max3A_10 : vector<1000x128xf32>
    %get3A_12 = arith.constant 0 : index
    %get3A_13 = arith.constant 0 : index
    %get3A_14 = vector.load %arg4[%get3A_12, %get3A_13] : memref<128x128xf32, #tpu.memory_space<vmem>>, vector<128x128xf32>
    %dot_general3A_15 = arith.constant dense<0.000000e+00> : vector<1000x128xf32>
    %dot_general3A_16 = tpu.matmul %get3A_1, %get3A_14, %dot_general3A_15 {dimension_numbers = #tpu.dot_dimension_numbers<[1], [1], [0], [0], [0, 0, 1, 0], [], []>, transpose_lhs_hint = false} : vector<1000x128xf32>, vector<128x128xf32>, vector<1000x128xf32> -> vector<1000x128xf32>
    %get3A_17 = arith.constant 0 : index
    %get3A_18 = arith.constant 0 : index
    %get3A_19 = vector.load %arg5[%get3A_17, %get3A_18] : memref<1x128xf32, #tpu.memory_space<vmem>>, vector<1x128xf32>
    %add3A_20 = vector.broadcast %get3A_19 : vector<1x128xf32> to vector<1000x128xf32>
    %add3A_21 = arith.addf %dot_general3A_16, %add3A_20 : vector<1000x128xf32>
    %max3A_22 = arith.constant 0.000000e+00 : f32
    %max3A_23 = vector.broadcast %max3A_22 : f32 to vector<1000x128xf32>
    %max3A_24 = arith.maximumf %add3A_21, %max3A_23 : vector<1000x128xf32>
    %swap3A = arith.constant 0 : index
    %swap3A_25 = arith.constant 0 : index
    %swap3A_26 = vector.load %arg10[%swap3A, %swap3A_25] : memref<1000x128xf32, #tpu.memory_space<vmem>>, vector<1000x128xf32>
    tpu.vector_store %arg10[%swap3A, %swap3A_25], %max3A_11 {strides = array<i32>} : memref<1000x128xf32, #tpu.memory_space<vmem>>, vector<1000x128xf32>,
    %swap3A_27 = arith.constant 0 : index
    %swap3A_28 = arith.constant 0 : index
    %swap3A_29 = vector.load %arg11[%swap3A_27, %swap3A_28] : memref<1000x128xf32, #tpu.memory_space<vmem>>, vector<1000x128xf32>
    tpu.vector_store %arg11[%swap3A_27, %swap3A_28], %max3A_24 {strides = array<i32>} : memref<1000x128xf32, #tpu.memory_space<vmem>>, vector<1000x128xf32>,
    %get3A_30 = arith.constant 0 : index
    %get3A_31 = arith.constant 0 : index
    %get3A_32 = vector.load %arg6[%get3A_30, %get3A_31] : memref<128x1xf32, #tpu.memory_space<vmem>>, vector<128x1xf32>
    %dot_general3A_33 = arith.constant dense<0.000000e+00> : vector<1000x1xf32>
    %dot_general3A_34 = tpu.matmul %max3A_11, %get3A_32, %dot_general3A_33 {dimension_numbers = #tpu.dot_dimension_numbers<[1], [0], [0], [1], [0, 0, 1, 1], [], []>, transpose_lhs_hint = false} : vector<1000x128xf32>, vector<128x1xf32>, vector<1000x1xf32> -> vector<1000x1xf32>
    %get3A_35 = arith.constant 0 : index
    %get3A_36 = arith.constant 0 : index
    %get3A_37 = vector.load %arg7[%get3A_35, %get3A_36] : memref<1x1xf32, #tpu.memory_space<vmem>>, vector<1x1xf32>
    %add3A_38 = vector.broadcast %get3A_37 : vector<1x1xf32> to vector<1000x1xf32>
    %add3A_39 = arith.addf %dot_general3A_34, %add3A_38 : vector<1000x1xf32>
    %swap3A_40 = arith.constant 0 : index
    %swap3A_41 = arith.constant 0 : index
    %swap3A_42 = vector.load %arg12[%swap3A_40, %swap3A_41] : memref<1000x1xf32, #tpu.memory_space<vmem>>, vector<1000x1xf32>
    tpu.vector_store %arg12[%swap3A_40, %swap3A_41], %add3A_39 {strides = array<i32>} : memref<1000x1xf32, #tpu.memory_space<vmem>>, vector<1000x1xf32>,
    %get3A_43 = arith.constant 0 : index
    %get3A_44 = arith.constant 0 : index
    %get3A_45 = vector.load %arg8[%get3A_43, %get3A_44] : memref<128x1xf32, #tpu.memory_space<vmem>>, vector<128x1xf32>
    %dot_general3A_46 = arith.constant dense<0.000000e+00> : vector<1000x1xf32>
    %dot_general3A_47 = tpu.matmul %max3A_24, %get3A_45, %dot_general3A_46 {dimension_numbers = #tpu.dot_dimension_numbers<[1], [0], [0], [1], [0, 0, 1, 1], [], []>, transpose_lhs_hint = false} : vector<1000x128xf32>, vector<128x1xf32>, vector<1000x1xf32> -> vector<1000x1xf32>
    %get3A_48 = arith.constant 0 : index
    %get3A_49 = arith.constant 0 : index
    %get3A_50 = vector.load %arg9[%get3A_48, %get3A_49] : memref<1x1xf32, #tpu.memory_space<vmem>>, vector<1x1xf32>
    %add3A_51 = vector.broadcast %get3A_50 : vector<1x1xf32> to vector<1000x1xf32>
    %add3A_52 = arith.addf %dot_general3A_47, %add3A_51 : vector<1000x1xf32>
    %swap3A_53 = arith.constant 0 : index
    %swap3A_54 = arith.constant 0 : index
    %swap3A_55 = vector.load %arg13[%swap3A_53, %swap3A_54] : memref<1000x1xf32, #tpu.memory_space<vmem>>, vector<1000x1xf32>
    tpu.vector_store %arg13[%swap3A_53, %swap3A_54], %add3A_52 {strides = array<i32>} : memref<1000x1xf32, #tpu.memory_space<vmem>>, vector<1000x1xf32>,
    return
  }
  func.func @transform_0(%arg0: i32) -> (i32, i32) {
    %c0_i32 = arith.constant 0 : i32
    %c0_i32_0 = arith.constant 0 : i32
    return %arg0, %c0_i32 : i32, i32
  }
  func.func @transform_1(%arg0: i32) -> (i32, i32) {
    %c0_i32 = arith.constant 0 : i32
    %c0_i32_0 = arith.constant 0 : i32
    %c0_i32_1 = arith.constant 0 : i32
    return %c0_i32, %c0_i32_0 : i32, i32
  }
  func.func @transform_2(%arg0: i32) -> (i32, i32) {
    %c0_i32 = arith.constant 0 : i32
    %c0_i32_0 = arith.constant 0 : i32
    %c0_i32_1 = arith.constant 0 : i32
    return %c0_i32, %c0_i32_0 : i32, i32
  }
  func.func @transform_3(%arg0: i32) -> (i32, i32) {
    %c0_i32 = arith.constant 0 : i32
    %c0_i32_0 = arith.constant 0 : i32
    %c0_i32_1 = arith.constant 0 : i32
    return %c0_i32, %c0_i32_0 : i32, i32
  }
  func.func @transform_4(%arg0: i32) -> (i32, i32) {
    %c0_i32 = arith.constant 0 : i32
    %c0_i32_0 = arith.constant 0 : i32
    %c0_i32_1 = arith.constant 0 : i32
    return %c0_i32, %c0_i32_0 : i32, i32
  }
  func.func @transform_5(%arg0: i32) -> (i32, i32) {
    %c0_i32 = arith.constant 0 : i32
    %c0_i32_0 = arith.constant 0 : i32
    %c0_i32_1 = arith.constant 0 : i32
    return %c0_i32, %c0_i32_0 : i32, i32
  }
  func.func @transform_6(%arg0: i32) -> (i32, i32) {
    %c0_i32 = arith.constant 0 : i32
    %c0_i32_0 = arith.constant 0 : i32
    %c0_i32_1 = arith.constant 0 : i32
    return %c0_i32, %c0_i32_0 : i32, i32
  }
  func.func @transform_7(%arg0: i32) -> (i32, i32) {
    %c0_i32 = arith.constant 0 : i32
    %c0_i32_0 = arith.constant 0 : i32
    %c0_i32_1 = arith.constant 0 : i32
    return %c0_i32, %c0_i32_0 : i32, i32
  }
  func.func @transform_8(%arg0: i32) -> (i32, i32) {
    %c0_i32 = arith.constant 0 : i32
    %c0_i32_0 = arith.constant 0 : i32
    %c0_i32_1 = arith.constant 0 : i32
    return %c0_i32, %c0_i32_0 : i32, i32
  }
  func.func @transform_9(%arg0: i32) -> (i32, i32) {
    %c0_i32 = arith.constant 0 : i32
    %c0_i32_0 = arith.constant 0 : i32
    return %arg0, %c0_i32 : i32, i32
  }
  func.func @transform_10(%arg0: i32) -> (i32, i32) {
    %c0_i32 = arith.constant 0 : i32
    %c0_i32_0 = arith.constant 0 : i32
    return %arg0, %c0_i32 : i32, i32
  }
  func.func @transform_11(%arg0: i32) -> (i32, i32) {
    %c0_i32 = arith.constant 0 : i32
    %c0_i32_0 = arith.constant 0 : i32
    return %arg0, %c0_i32 : i32, i32
  }
  func.func @transform_12(%arg0: i32) -> (i32, i32) {
    %c0_i32 = arith.constant 0 : i32
    %c0_i32_0 = arith.constant 0 : i32
    return %arg0, %c0_i32 : i32, i32
  }
}

module attributes {stable_mosaic.version = 14 : i64} {
  func.func @_add_body(%arg0: i32, %arg1: memref<1000x128xf32, #tpu.memory_space<vmem>>, %arg2: memref<1000x128xf32, #tpu.memory_space<vmem>>, %arg3: memref<1000x128xf32, #tpu.memory_space<vmem>>, %arg4: memref<1000x128xf32, #tpu.memory_space<vmem>>) attributes {dimension_semantics = [#tpu.dimension_semantics<arbitrary>], iteration_bounds = array<i64: 10>, scalar_prefetch = 0 : i64, scratch_operands = 0 : i64, tpu.core_type = #tpu.core_type<tc>, window_params = [{transform_indices = @transform_0, window_bounds = array<i64: 1000, 128>}, {transform_indices = @transform_1, window_bounds = array<i64: 1000, 128>}, {transform_indices = @transform_2, window_bounds = array<i64: 1000, 128>}, {transform_indices = @transform_3, window_bounds = array<i64: 1000, 128>}]} {
    %get3A = arith.constant 0 : index
    %get3A_0 = arith.constant 0 : index
    %get3A_1 = vector.load %arg1[%get3A, %get3A_0] : memref<1000x128xf32, #tpu.memory_space<vmem>>, vector<1000x128xf32>
    %get3A_2 = arith.constant 0 : index
    %get3A_3 = arith.constant 0 : index
    %get3A_4 = vector.load %arg2[%get3A_2, %get3A_3] : memref<1000x128xf32, #tpu.memory_space<vmem>>, vector<1000x128xf32>
    %add3A = arith.addf %get3A_1, %get3A_4 : vector<1000x128xf32>
    %get3A_5 = arith.constant 0 : index
    %get3A_6 = arith.constant 0 : index
    %get3A_7 = vector.load %arg3[%get3A_5, %get3A_6] : memref<1000x128xf32, #tpu.memory_space<vmem>>, vector<1000x128xf32>
    %add3A_8 = arith.addf %add3A, %get3A_7 : vector<1000x128xf32>
    %swap3A = arith.constant 0 : index
    %swap3A_9 = arith.constant 0 : index
    %swap3A_10 = vector.load %arg4[%swap3A, %swap3A_9] : memref<1000x128xf32, #tpu.memory_space<vmem>>, vector<1000x128xf32>
    tpu.vector_store %arg4[%swap3A, %swap3A_9], %add3A_8 {strides = array<i32>} : memref<1000x128xf32, #tpu.memory_space<vmem>>, vector<1000x128xf32>,
    return
  }
  func.func @transform_0(%arg0: i32) -> (i32, i32) {
    %c0_i32 = arith.constant 0 : i32
    %c0_i32_0 = arith.constant 0 : i32
    return %arg0, %c0_i32 : i32, i32
  }
  func.func @transform_1(%arg0: i32) -> (i32, i32) {
    %c0_i32 = arith.constant 0 : i32
    %c0_i32_0 = arith.constant 0 : i32
    return %arg0, %c0_i32 : i32, i32
  }
  func.func @transform_2(%arg0: i32) -> (i32, i32) {
    %c0_i32 = arith.constant 0 : i32
    %c0_i32_0 = arith.constant 0 : i32
    return %arg0, %c0_i32 : i32, i32
  }
  func.func @transform_3(%arg0: i32) -> (i32, i32) {
    %c0_i32 = arith.constant 0 : i32
    %c0_i32_0 = arith.constant 0 : i32
    return %arg0, %c0_i32 : i32, i32
  }
}

</mosaic_0001>

<sc_bundles>
// kernel: kernel.5.cloned.1.call-start
scs
__scs_entry_jumppad:
0x0: {  	(pc) =	sbr.rel $0x88, $3  }
0x1: {  	(tag) =	ssettag $0x0;
	lr =	simm.s32 $0x1  }
0x2: {  	[smem:$0x3F97] =	sst lr;
	_ =	strace $0xD0000000  }
0x3: {  	_ = 	snop  }
0x4: {  	_ = 	snop  }
0x5: {  	_ = 	snop  }
0x6: {  	_ = 	snop  }
0x7: {  	_ = 	snop  }
__scs_overlays_trampoline_lowered:
0x8: {  	[smem:$0x3FA6] =	sst s0  }
0x9: {  	[smem:$0x3FA7] =	sst s1  }
0xa: {  	[smem:$0x3FA8] =	sst s2  }
0xb: {  	[smem:$0x3FA9] =	sst s3  }
0xc: {  	[smem:$0x3FAA] =	sst s4  }
0xd: {  	[smem:$0x3FAB] =	sst s5  }
0xe: {  	[smem:$0x3FAC] =	sst s6  }
0xf: {  	[smem:$0x3FAD] =	sst s7  }
0x10: {  	[smem:$0x3FAE] =	sst s8  }
0x11: {  	[smem:$0x3FAF] =	sst s9;
	s0 =	simm.s32 @!p0 $0x0  }
0x12: {  	s1 =	sld [smem:$0x3F95];
	s0 =	simm.s32 @p0 $0x1  }
0x13: {  	[smem:$0x3FB0] =	sst s0;
	s0 =	simm.s32 @!p1 $0x0  }
0x14: {  	s2 =	sld [smem:$0x3F94];
	s0 =	simm.s32 @p1 $0x1  }
0x15: {  	[smem:$0x3FB1] =	sst s0;
	s0 =	simm.s32 @!p2 $0x0  }
0x16: {  	s3 =	sld [smem:$0x3FDB];
	s0 =	simm.s32 @p2 $0x1  }
0x17: {  	s4 =	simm.s32 $0x1BF5;
	[smem:$0x3FB3] =	sst s0  }
0x18: {  	s0 =	sld [smem:$0x3F96];
	_ =	swait.ge [sflag:s4], $0x0  }
0x19: {  	s7 =	sld [smem:$0x3F97]  }
0x1a: {  	s8 =	sadd.s32 $0xFFFFE003, lr  }
0x1b: {  	s9 =	sadd.s32 $0xFFFFFEF7, lr;
	s5 =	simm.s32 $0xFFFFFFFF;
	p2 =	slt.u32 s8, $0xFFFFF086  }
0x1c: {  	p1 =	slt.u32 s9, $0xF7A;
	s5 =	simm.s32 @!p2 $0x0  }
0x1d: {  	s5 =	simm.s32 @p1 $0x1;
	p0 =	seq.s32 s7, s2  }
0x1e: {  	s7 =	smul.u32 @!p0 $0xF7A, s2;
	p2 =	seq.s32 @!p0 s5, $0x0  }
0x1f: {  	s9 =	smul.u32 $0xF7A, s1;
	s8 =	simm.s32 @!p0 $0x1BF5;
	p2 =	por !p2, p0  }
0x20: {  	[sflag:s8] =	ssyncset.s32 @!p0 $0xFFFFF086;
	s6 =	sadd.s32 @!p0 s3, s7;
	s7 =	simm.s32 @!p0 $0x108  }
0x21: {  	s3 =	sadd.s32 s3, s9;
	s6 =	sadd.s32 @!p0 $0x88, s6;
	s7 =	simm.s32 @p2 $0x1082  }
0x22: {  	[simem:s7], [sflag:s8] =	dma.local @!p0 [hbm:s6], $0xF7A  }
0x23: {  	s9 =	sor.u32 $0xD0000000, s2;
	s6 =	simm.s32 $0x108;
	_ =	swait.ge @!p0 [sflag:s8], $0x0  }
0x24: {  	s3 =	sadd.s32 $0x88, s3;
	s6 =	simm.s32 @!p1 $0x1082;
	[sflag:s4] =	ssyncset.s32 $0xFFFFF086  }
0x25: {  	[simem:s6], [sflag:s4] =	dma.local [hbm:s3], $0xF7A  }
0x26: {  	[smem:$0x3F97] =	sst s1;
	(tag) =	ssettag s2;
	_ =	strace s9  }
0x27: {  	s1 =	sld [smem:$0x3FA7]  }
0x28: {  	s2 =	sld [smem:$0x3FA8]  }
0x29: {  	s4 =	sld [smem:$0x3FAA]  }
0x2a: {  	p0 =	seq.s32 s5, $0x0;
	s5 =	sld [smem:$0x3FAB]  }
0x2b: {  	s6 =	sld [smem:$0x3FAC]  }
0x2c: {  	s7 =	sld [smem:$0x3FAD]  }
0x2d: {  	s3 =	simm.s32 $0x108;
	s8 =	sld [smem:$0x3FAE]  }
0x2e: {  	s3 =	simm.s32 @!p0 $0x1082;
	s9 =	sld [smem:$0x3FAF]  }
0x2f: {  	lr =	sadd.s32 s0, s3;
	s0 =	sld [smem:$0x3FA6]  }
0x30: {  	s3 =	sld [smem:$0x3FA9]  }
0x31: {  	[smem:$0x3FB2] =	sst s10  }
0x32: {  	s10 =	sld [smem:$0x3FB0];
	_ =	sdelay $0x3  }
0x33: {  	p0 =	seq.s32 s10, $0x1;
	s10 =	sld [smem:$0x3FB2];
	_ =	sdelay $0x3  }
0x34: {  	[smem:$0x3FB2] =	sst s10  }
0x35: {  	s10 =	sld [smem:$0x3FB1];
	_ =	sdelay $0x3  }
0x36: {  	p1 =	seq.s32 s10, $0x1;
	s10 =	sld [smem:$0x3FB2];
	_ =	sdelay $0x3  }
0x37: {  	[smem:$0x3FB2] =	sst s10  }
0x38: {  	s10 =	sld [smem:$0x3FB3]  }
0x39: {  	_ = 	snop;
	(pc) =	sbr.ind lr, $3  }
0x3a: {  	_ = 	snop  }
0x3b: {  	_ = 	snop  }
0x3c: {  	p2 =	seq.s32 s10, $0x1;
	s10 =	sld [smem:$0x3FB2]  }
0x3d: {  	_ =	shalt  }
0x3e: {  	_ =	shalt  }
0x3f: {  	_ =	shalt  }
0x40: {  	_ =	shalt  }
0x41: {  	_ =	shalt  }
0x42: {  	_ =	shalt  }
0x43: {  	_ =	shalt  }
0x44: {  	_ =	shalt  }
0x45: {  	_ =	shalt  }
0x46: {  	_ =	shalt  }
0x47: {  	_ =	shalt  }
0x48: {  	_ =	shalt  }
0x49: {  	_ =	shalt  }
0x4a: {  	_ =	shalt  }
0x4b: {  	_ =	shalt  }
0x4c: {  	_ =	shalt  }
0x4d: {  	_ =	shalt  }
0x4e: {  	_ =	shalt  }
0x4f: {  	_ =	shalt  }
0x50: {  	_ =	shalt  }
0x51: {  	_ =	shalt  }
0x52: {  	_ =	shalt  }
0x53: {  	_ =	shalt  }
0x54: {  	_ =	shalt  }
0x55: {  	_ =	shalt  }
0x56: {  	_ =	shalt  }
0x57: {  	_ =	shalt  }
0x58: {  	_ =	shalt  }
0x59: {  	_ =	shalt  }
0x5a: {  	_ =	shalt  }
0x5b: {  	_ =	shalt  }
0x5c: {  	_ =	shalt  }
0x5d: {  	_ =	shalt  }
0x5e: {  	_ =	shalt  }
0x5f: {  	_ =	shalt  }
0x60: {  	_ =	shalt  }
0x61: {  	_ =	shalt  }
0x62: {  	_ =	shalt  }
0x63: {  	_ =	shalt  }
0x64: {  	_ =	shalt  }
0x65: {  	_ =	shalt  }
0x66: {  	_ =	shalt  }
0x67: {  	_ =	shalt  }
0x68: {  	_ =	shalt  }
0x69: {  	_ =	shalt  }
0x6a: {  	_ =	shalt  }
0x6b: {  	_ =	shalt  }
0x6c: {  	_ =	shalt  }
0x6d: {  	_ =	shalt  }
0x6e: {  	_ =	shalt  }
0x6f: {  	_ =	shalt  }
0x70: {  	_ =	shalt  }
0x71: {  	_ =	shalt  }
0x72: {  	_ =	shalt  }
0x73: {  	_ =	shalt  }
0x74: {  	_ =	shalt  }
0x75: {  	_ =	shalt  }
0x76: {  	_ =	shalt  }
0x77: {  	_ =	shalt  }
0x78: {  	_ =	shalt  }
0x79: {  	_ =	shalt  }
0x7a: {  	_ =	shalt  }
0x7b: {  	_ =	shalt  }
0x7c: {  	_ =	shalt  }
0x7d: {  	_ =	shalt  }
0x7e: {  	_ =	shalt  }
0x7f: {  	_ =	shalt  }
0x80: {  	_ =	shalt  }
0x81: {  	_ =	shalt  }
0x82: {  	_ =	shalt  }
0x83: {  	_ =	shalt  }
0x84: {  	_ =	shalt  }
0x85: {  	_ =	shalt  }
0x86: {  	_ =	shalt  }
0x87: {  	_ =	shalt  }
.Lfunc_end0:
.L_simem_size_0:
called_computation_lowered:
.L_overlay_start_0:
0x88: {  	s2 =	sld [smem:$0x3FD9]  }
0x89: {  	s3 =	sld [smem:$0x3FFE];
	_ =	sdelay $0x1  }
0x8a: {  	s1 =	srdreg.scid  }
0x8b: {  	s0 =	sand.u32 $0x1, s1  }
0x8c: {  	s17 =	sshll.u32 s0, $0xA;
	s2 =	sadd.s32 s3, s2  }
0x8d: {  	s2 =	sadd.s32 s2, s17  }
0x8e: {  	[smem:$0x3FBE] =	sst s2  }
0x8f: {  	_ = 	snop  }
0x90: {  	s2 =	sld [smem:$0x3FD0];
	(tm) =	ssettm $0x1  }
0x91: {  	s18 =	sld [smem:$0x3FFB];
	_ =	sdelay $0x3  }
0x92: {  	_ =	strace s18  }
0x93: {  	s3 =	sld [smem:$0x3FFC];
	_ =	sdelay $0x3  }
0x94: {  	_ =	strace s3  }
0x95: {  	s3 =	sld [smem:$0x3FFD];
	_ =	sdelay $0x3  }
0x96: {  	_ =	strace s3  }
0x97: {  	_ =	strace $0x8FFFFFFF  }
0x98: {  	s19 =	sld [smem:$0x3FDB];
	_ =	sdelay $0x1  }
0x99: {  	s4 =	simm.s32 $_scs_section_size  }
0x9a: {  	s5 =	simm.s32 $_size__tile_overlayer_lowered;
	s6 =	simm.s32 $_tile_overlayer_lowered  }
0x9b: {  	s22 =	simm.s32 $0x1BFF;
	s21 =	sshll.u32 s6, $0x1;
	s3 =	sadd.s32 s4, s19  }
0x9c: {  	s7 =	simm.s32 $0x0;
	s20 =	sshll.u32 s5, $0x1;
	s5 =	sadd.s32 s21, s3  }
0x9d: {  	[timem:s7], [sflag:s22] =	dma.local [hbm:s5], s20  }
0x9e: {  	_ =	swait.ge [sflag:s22], s20  }
0x9f: {  	s4 =	ssub.s32 $0x0, s20;
	[sflag:s22] =	ssyncset.done $0x0  }
0xa0: {  	[sflag:s22] =	ssyncadd.s32 s4;
	_ =	sdelay $0x1  }
0xa1: {  	s23 =	simm.s32 $0x1B8B  }
0xa2: {  	_ =	swait.ge [sflag:s23], $0x1  }
0xa3: {  	[sflag:s23] =	ssyncset.done $0x0  }
0xa4: {  	s25 =	simm.s32 $0x1B8E;
	s24 =	sld [smem:$0x3FFE];
	[sflag:s23] =	ssyncadd.s32 $0xFFFFFFFF  }
0xa5: {  	s26 =	simm.s32 $execute0_lowered;
	[smem:$0x3FD2] =	sst s25  }
0xa6: {  	s5 =	sshll.u32 s26, $0x1;
	_ =	strace $0x80000046;
	[dreg:$0x1] =	wrdreg $0xFFFFFFFF  }
0xa7: {  	s28 =	simm.s32 $_size_execute0_lowered;
	s3 =	sadd.s32 s3, s5;
	[dreg:$0x0] =	wrdreg $0x0  }
0xa8: {  	s5 =	sshll.u32 s28, $0x1;
	[dreg:$0x2] =	wrdreg s3  }
0xa9: {  	[dreg:$0x3] =	wrdreg s5  }
0xaa: {  	[dreg:$0x4] =	wrdreg $0xC0  }
0xab: {  	_ =	task [dreg:s7], $0x5FFFF  }
0xac: {  	[dreg:$0x1] =	wrdreg $0xFFFFFFFF  }
0xad: {  	[dreg:$0x0] =	wrdreg $0x60  }
0xae: {  	[dreg:$0x2] =	wrdreg s2  }
0xaf: {  	[dreg:$0x3] =	wrdreg s24  }
0xb0: {  	[dreg:$0x4] =	wrdreg $0x0  }
0xb1: {  	[dreg:$0x5] =	wrdreg $0x9  }
0xb2: {  	_ =	task.clear_ibuf [dreg:s7], $0x6FFFF;
	_ =	strace $0x90000046  }
0xb3: {  	s29 =	simm.s32 $0x9;
	_ =	strace $0x80000048  }
0xb4: {  	_ =	swait.ge [sflag:s29], $0x1  }
0xb5: {  	[sflag:s29] =	ssyncadd.s32 $0xFFFFFFFF  }
0xb6: {  	_ =	strace $0x90000048  }
0xb7: {  	_ =	sfence  }
0xb8: {  	s30 =	sld [smem:$0x0];
	_ =	sdelay $0x2  }
0xb9: {  	s31 =	sshll.u32 s1, $0xD;
	s1 =	sshrl.u32 s1, $0x2  }
0xba: {  	s3 =	sand.u32 $0x4000, s31;
	s1 =	sadd.s32 s1, s30  }
0xbb: {  	s0 =	sor.u32 s3, s0;
	s1 =	sshll.u32 s1, $0x11  }
0xbc: {  	s0 =	sor.u32 s1, s0  }
0xbd: {  	s0 =	sadd.s32 $0x8F2B, s0  }
0xbe: {  	[sflag:s0] =	ssyncadd.remote.s32 $0x1  }
0xbf: {  	_ =	sfence.sel $0xFFFF  }
0xc0: {  	[dreg:$0x0] =	wrdreg $0xFFFFFFFF;
	(pc) =	sbr.abs _section_cstart, $3  }
0xc1: {  	[dreg:$0x1] =	wrdreg $0xFFFFFFFF  }
0xc2: {  	_ =	task.clear_ibuf [dreg:s7], $0x2FFFF;
	_ =	strace $0x9FFFFFFF  }
0xc3: {  	(tm) =	ssettm $0x7FFFFFFF  }
tec
execute0_lowered:
.L_overlay_start_1:
0x0: {  	(tag) =	ssettag $0x1  }
0x1: {  	s1 =	rddreg [dreg:$0x0]  }
0x2: {  	s11 =	rddreg [dreg:$0x1]  }
0x3: {  	s2 =	rddreg [dreg:$0x2]  }
0x4: {  	s0 =	rddreg [dreg:$0x3];
	s3 =	simm.s32 $0x0  }
0x5: {  	s6 =	srdreg.scid;
	s15 =	simm.s32 $0x3F600;
	s18 =	simm.s32 $0x18F00  }
0x6: {  	s19 =	simm.s32 $0x18F80;
	s20 =	simm.s32 $0x50;
	s21 =	simm.s32 $0x19080  }
0x7: {  	s22 =	simm.s32 $0x1;
	s23 =	simm.s32 $0x19000;
	s24 =	simm.s32 $0x0  }
0x8: {  	[smem:$0x7FF] =	sst s3;
	s4 =	sadd.s32 $0x14200, s11;
	s5 =	sadd.s32 $0x14800, s11  }
0x9: {  	s10 =	sand.u32 $0x1, s6;
	s7 =	sadd.s32 $0xA400, s11;
	s8 =	sadd.s32 $0x600, s11  }
0xa: {  	s9 =	sadd.s32 $0x14E00, s11;
	s6 =	stileid.u32;
	_ =	strace $0x80000047  }
0xb: {  	s12 =	ssub.s32 $0x2, s10;
	s28 =	sshll.u32 s6, $0x1;
	s14 =	smul.u32 $0x50000, s6  }
0xc: {  	p0 =	seq.s32 s10, $0x1;
	s30 =	smul.u32 $0x2800, s6;
	s16 =	sshll.u32 s6, $0x6  }
0xd: {  	s13 =	sshrl.u32 s12, $0x1;
	s15 =	simm.s32 @!p0 $0x17600;
	s16 =	sor.u32 $0x1C02, s16  }
0xe: {  	s12 =	ssub.s32 s12, s13;
	s13 =	sor.u32 s10, s28;
	s29 =	sshrl.u32 s14, $0x2  }
0xf: {  	s31 =	sadd.s32 s15, s11;
	s14 =	simm.s32 $0x2;
	s15 =	simm.s32 $0x16780  }
0x10: {  	s17 =	sadd.s32 s29, s2;
	s10 =	smul.u32 $0x2710, s13;
	s11 =	smax.u32 s12, $0x1  }
0x11: {  	s12 =	sadd.s32 s31, s30;
	s13 =	simm.s32 $0x14000;
	s17 =	sshrl.u32 s17, $0x3  }
.LBB2_1:
0x12: {  	[tilespmem:s13], [sflag:$0x2] =	stream.linear.gather [hbm4b:s4+s3], $0x2780, $0x38;
	[tilespmem:$0x1B880] =	vst v63  }
0x13: {  	_ =	swait.ge [sflag:s14], $0x2780  }
0x14: {  	[sflag:s14] =	ssyncset.done $0x0  }
0x15: {  	[sflag:s14] =	ssyncadd.s32 $0xFFFFD880  }
0x16: {  	[tilespmem:s15], [sflag:$0x2] =	stream.linear.gather [hbm4b:s5+s3], $0x2780, $0x38;
	[tilespmem:$0x1B880] =	vst v63  }
0x17: {  	_ =	swait.ge [sflag:s14], $0x2780  }
0x18: {  	[sflag:s14] =	ssyncset.done $0x0  }
0x19: {  	[sflag:s14] =	ssyncadd.s32 $0xFFFFD880  }
0x1a: {  	[spmem:s17], [sflag:s16] =	dma.local [hbm:s9], $0x2800  }
0x1b: {  	_ =	swait.ge [sflag:s14], $0x2800  }
0x1c: {  	[sflag:s14] =	ssyncset.done $0x0  }
0x1d: {  	[sflag:s14] =	ssyncadd.s32 $0xFFFFD800  }
0x1e: {  	s25 =	simm.s32 $0x0;
	[bflag:$0x0] =	sbarrier.arrive $0xFFFF  }
.LBB2_2:
0x1f: {  	s26 =	smul.u32 $0x50, s25;
	_ =	sdelay $0x1  }
0x20: {  	s26 =	sadd.s32 s10, s26  }
0x21: {  	s28 =	sshrl.u32 s26, $0x3  }
0x22: {  	s31 =	simm.s32 $0x0;
	s29 =	sadd.s32 s7, s28  }
0x23: {  	[tilespmem:s18], [sflag:$0x2] =	stream.linear.gather [hbm4b:s29+s31], $0x50, $0x38;
	[tilespmem:$0x1B880] =	vst v63  }
0x24: {  	_ =	swait.ge [sflag:s14], $0x50  }
0x25: {  	[sflag:s14] =	ssyncset.done $0x0  }
0x26: {  	s28 =	sadd.s32 s8, s28;
	[sflag:s14] =	ssyncadd.s32 $0xFFFFFFB0  }
0x27: {  	[tilespmem:s19], [sflag:$0x2] =	stream.linear.gather [hbm4b:s28+s31], $0x50, $0x38;
	[tilespmem:$0x1B880] =	vst v63  }
0x28: {  	_ =	swait.ge [sflag:s14], $0x50  }
0x29: {  	[sflag:s14] =	ssyncset.done $0x0  }
0x2a: {  	[sflag:s14] =	ssyncadd.s32 $0xFFFFFFB0  }
0x2b: {  	[tilespmem:s21], [sflag:$0x1] =	stream.indirect.gather [hbm4b:s1+s20], $0x80, s19, s20, $0xb8;
	[tilespmem:$0x1B880] =	vst v63  }
0x2c: {  	_ =	swait.ge [sflag:s22], $0x2800  }
0x2d: {  	[sflag:s22] =	ssyncset.done $0x0  }
0x2e: {  	[sflag:s22] =	ssyncadd.s32 $0xFFFFD800  }
0x2f: {  	v0 =	vld [tilespmem:$0x18F00]  }
0x30: {  	v1 =	vld [tilespmem:$0x18F80];
	_ =	sdelay $0x6  }
0x31: {  	v0 =	vld.idx.msk [tilespmem:v0+s13+$0x0], $0xffff  }
0x32: {  	v1 =	vld.idx.msk [tilespmem:v1+s15+$0x0], $0xffff;
	_ =	sdelay $0x4  }
0x33: {  	v0 =	vadd.f32 v1, v0;
	_ =	sdelay $0x1  }
0x34: {  	v0 =	vsub.f32 $0.0e+00, v0;
	_ =	sdelay $0x1  }
0x35: {  	v0 =	vmul.f32 $1.442695020e+00, v0;
	_ =	sdelay $0x1  }
0x36: {  	(erf) = vpow2.f32 v0;
	_ =	sdelay $0x8  }
0x37: {  	v0 =	vpop (erf)  }
0x38: {  	v0 =	vadd.f32 $1.000000000e+00, v0;
	_ =	sdelay $0x1  }
0x39: {  	(erf) = vrcp.f32 v0;
	_ =	sdelay $0x2  }
0x3a: {  	v0 =	vld [tilespmem:$0x18F10]  }
0x3b: {  	v1 =	vld [tilespmem:$0x18F90];
	_ =	sdelay $0x4  }
0x3c: {  	v2 =	vpop (erf)  }
0x3d: {  	[tilespmem:$0x19000] =	vst v2  }
0x3e: {  	v0 =	vld.idx.msk [tilespmem:v0+s13+$0x0], $0xffff  }
0x3f: {  	v1 =	vld.idx.msk [tilespmem:v1+s15+$0x0], $0xffff;
	_ =	sdelay $0x4  }
0x40: {  	v0 =	vadd.f32 v1, v0;
	_ =	sdelay $0x1  }
0x41: {  	v0 =	vsub.f32 $0.0e+00, v0;
	_ =	sdelay $0x1  }
0x42: {  	v0 =	vmul.f32 $1.442695020e+00, v0;
	_ =	sdelay $0x1  }
0x43: {  	(erf) = vpow2.f32 v0;
	_ =	sdelay $0x8  }
0x44: {  	v0 =	vpop (erf)  }
0x45: {  	v0 =	vadd.f32 $1.000000000e+00, v0;
	_ =	sdelay $0x1  }
0x46: {  	(erf) = vrcp.f32 v0;
	_ =	sdelay $0x2  }
0x47: {  	v0 =	vld [tilespmem:$0x18F20]  }
0x48: {  	v1 =	vld [tilespmem:$0x18FA0];
	_ =	sdelay $0x4  }
0x49: {  	v2 =	vpop (erf)  }
0x4a: {  	[tilespmem:$0x19010] =	vst v2  }
0x4b: {  	v0 =	vld.idx.msk [tilespmem:v0+s13+$0x0], $0xffff  }
0x4c: {  	v1 =	vld.idx.msk [tilespmem:v1+s15+$0x0], $0xffff;
	_ =	sdelay $0x4  }
0x4d: {  	v0 =	vadd.f32 v1, v0;
	_ =	sdelay $0x1  }
0x4e: {  	v0 =	vsub.f32 $0.0e+00, v0;
	_ =	sdelay $0x1  }
0x4f: {  	v0 =	vmul.f32 $1.442695020e+00, v0;
	_ =	sdelay $0x1  }
0x50: {  	(erf) = vpow2.f32 v0;
	_ =	sdelay $0x8  }
0x51: {  	v0 =	vpop (erf)  }
0x52: {  	v0 =	vadd.f32 $1.000000000e+00, v0;
	_ =	sdelay $0x1  }
0x53: {  	(erf) = vrcp.f32 v0;
	_ =	sdelay $0x2  }
0x54: {  	v0 =	vld [tilespmem:$0x18F30]  }
0x55: {  	v1 =	vld [tilespmem:$0x18FB0];
	_ =	sdelay $0x4  }
0x56: {  	v2 =	vpop (erf)  }
0x57: {  	[tilespmem:$0x19020] =	vst v2  }
0x58: {  	v0 =	vld.idx.msk [tilespmem:v0+s13+$0x0], $0xffff  }
0x59: {  	v1 =	vld.idx.msk [tilespmem:v1+s15+$0x0], $0xffff;
	_ =	sdelay $0x4  }
0x5a: {  	v0 =	vadd.f32 v1, v0;
	_ =	sdelay $0x1  }
0x5b: {  	v0 =	vsub.f32 $0.0e+00, v0;
	_ =	sdelay $0x1  }
0x5c: {  	v0 =	vmul.f32 $1.442695020e+00, v0;
	_ =	sdelay $0x1  }
0x5d: {  	(erf) = vpow2.f32 v0;
	_ =	sdelay $0x8  }
0x5e: {  	v0 =	vpop (erf)  }
0x5f: {  	v0 =	vadd.f32 $1.000000000e+00, v0;
	_ =	sdelay $0x1  }
0x60: {  	(erf) = vrcp.f32 v0;
	_ =	sdelay $0x2  }
0x61: {  	v0 =	vld [tilespmem:$0x18F40]  }
0x62: {  	v1 =	vld [tilespmem:$0x18FC0];
	_ =	sdelay $0x4  }
0x63: {  	v2 =	vpop (erf)  }
0x64: {  	[tilespmem:$0x19030] =	vst v2  }
0x65: {  	v0 =	vld.idx.msk [tilespmem:v0+s13+$0x0], $0xffff  }
0x66: {  	v1 =	vld.idx.msk [tilespmem:v1+s15+$0x0], $0xffff;
	_ =	sdelay $0x4  }
0x67: {  	v0 =	vadd.f32 v1, v0;
	_ =	sdelay $0x1  }
0x68: {  	v0 =	vsub.f32 $0.0e+00, v0;
	_ =	sdelay $0x1  }
0x69: {  	v0 =	vmul.f32 $1.442695020e+00, v0;
	_ =	sdelay $0x1  }
0x6a: {  	(erf) = vpow2.f32 v0;
	_ =	sdelay $0x8  }
0x6b: {  	v0 =	vpop (erf)  }
0x6c: {  	v0 =	vadd.f32 $1.000000000e+00, v0;
	_ =	sdelay $0x1  }
0x6d: {  	(erf) = vrcp.f32 v0;
	_ =	sdelay $0x8  }
0x6e: {  	v1 =	vmov s31;
	v0 =	vpop (erf)  }
0x6f: {  	s26 =	simm.s32 $0x190C0;
	[tilespmem:$0x19040] =	vst v0  }
0x70: {  	v4 =	vld [tilespmem:s26+$0x30]  }
0x71: {  	v7 =	vld [tilespmem:s26+$0x10]  }
0x72: {  	v5 =	vld [tilespmem:s26+$0xFFFFFFC0]  }
0x73: {  	v1 =	vld.idx.msk [tilespmem:v1+s23+$0x0], $0xffff  }
0x74: {  	v9 =	vld [tilespmem:s26+$0xFFFFFFE0]  }
0x75: {  	v0 =	vld [tilespmem:s26+$0xFFFFFFF0]  }
0x76: {  	v2 =	vld [tilespmem:s26+$0x20]  }
0x77: {  	v3 =	vld [tilespmem:s26+$0xFFFFFFD0]  }
0x78: {  	v8 =	vmul.f32 v4, v1;
	v4 =	vld [tilespmem:s26+$0x0]  }
0x79: {  	v6 =	vmul.f32 v5, v1  }
0x7a: {  	s29 =	simm.s32 $0x190C0;
	s28 =	simm.s32 $0x1;
	v5 =	vmul.f32 v9, v1;
	v7 =	vmul.f32 v7, v1  }
.LBB2_3:
0x7b: {  	p0 =	sne.s32 s28, $0x4F  }
0x7c: {  	v3 =	vmul.f32 v3, v1;
	v2 =	vmul.f32 v2, v1;
	[tilespmem:s26+$0x30] =	vst v8;
	s29 =	sadd.s32 $0x80, s29;
	s30 =	smov.u32 s28;
	s28 =	sadd.s32 $0x1, s28  }
0x7d: {  	[tilespmem:s26+$0xFFFFFFC0] =	vst v6;
	v6 =	vmul.f32 v0, v1;
	v1 =	vmul.f32 v4, v1  }
0x7e: {  	[tilespmem:s26+$0x10] =	vst v7  }
0x7f: {  	v4 =	vmov s30;
	[tilespmem:s26+$0xFFFFFFE0] =	vst v5  }
0x80: {  	v0 =	vld [tilespmem:s29+$0xFFFFFFF0];
	[tilespmem:s26+$0xFFFFFFF0] =	vst v6  }
0x81: {  	v5 =	vld [tilespmem:s29+$0x30];
	[tilespmem:s26+$0x0] =	vst v1  }
0x82: {  	v7 =	vld [tilespmem:s29+$0x10];
	[tilespmem:s26+$0x20] =	vst v2  }
0x83: {  	v6 =	vld [tilespmem:s29+$0xFFFFFFC0];
	[tilespmem:s26+$0xFFFFFFD0] =	vst v3;
	s26 =	smov.u32 s29  }
0x84: {  	v1 =	vld.idx.msk [tilespmem:v4+s23+$0x0], $0xffff  }
0x85: {  	v9 =	vld [tilespmem:s29+$0xFFFFFFE0]  }
0x86: {  	v2 =	vld [tilespmem:s29+$0x20]  }
.Ltmp0:
0x87: {  	v3 =	vld [tilespmem:s29+$0xFFFFFFD0];
	(pc) =	sbr.rel @p0 .LBB2_3-.Ltmp0, $3  }
0x88: {  	v4 =	vld [tilespmem:s29+$0x0];
	_ =	sdelay $0x1  }
0x89: {  	v6 =	vmul.f32 v6, v1;
	v8 =	vmul.f32 v5, v1  }
0x8a: {  	v7 =	vmul.f32 v7, v1;
	v5 =	vmul.f32 v9, v1  }
0x8b: {  	[tilespmem:s26+$0x30] =	vst v8  }
0x8c: {  	[tilespmem:s26+$0xFFFFFFC0] =	vst v6  }
0x8d: {  	v0 =	vmul.f32 v0, v1;
	[tilespmem:s26+$0x10] =	vst v7  }
0x8e: {  	v2 =	vmul.f32 v2, v1;
	[tilespmem:s26+$0xFFFFFFE0] =	vst v5  }
0x8f: {  	v63 =	vmul.f32 v3, v1;
	[tilespmem:s26+$0xFFFFFFF0] =	vst v0  }
0x90: {  	s25 =	sadd.s32 $0x1, s25;
	v4 =	vmul.f32 v4, v1;
	[tilespmem:s26+$0x20] =	vst v2  }
0x91: {  	p0 =	sne.s32 s25, $0x7D;
	[tilespmem:s26+$0xFFFFFFD0] =	vst v63  }
.Ltmp1:
0x92: {  	[tilespmem:s26+$0x0] =	vst v4;
	(pc) =	sbr.rel @p0 .LBB2_2-.Ltmp1, $4  }
0x93: {  	[spmem:s2] =	stream.indirect.scatter.add.f32 [tilespmem:s21], [sflag:$0x2], $0x80, s18, s20, $0xb8;
	[tilespmem:$0x1B880] =	vst v63  }
0x94: {  	_ =	swait.ge [sflag:s14], $0x2800  }
0x95: {  	[sflag:s14] =	ssyncset.done $0x0  }
0x96: {  	[sflag:s14] =	ssyncadd.s32 $0xFFFFD800  }
0x97: {  	s24 =	sadd.s32 $0x1, s24  }
0x98: {  	p0 =	sne.s32 s24, s11  }
.Ltmp2:
0x99: {  	[bflag:$0x0] =	sbarrier.arrive $0xFFFF;
	(pc) =	sbr.rel @p0 .LBB2_1-.Ltmp2, $4  }
0x9a: {  	[hbm:s12], [sflag:s16] =	dma.local [spmem:s17], $0x2800  }
0x9b: {  	_ =	swait.ge [sflag:s14], $0x2800  }
0x9c: {  	[sflag:s14] =	ssyncset.done $0x0  }
0x9d: {  	[sflag:s14] =	ssyncadd.s32 $0xFFFFD800  }
0x9e: {  	_ =	sfence.sel $0x180000  }
0x9f: {  	[bflag:$0x0] =	sbarrier.arrive $0xFFFF  }
0xa0: {  	p0 =	sne.s32 s6, $0x0;
	_ =	strace $0x90000047  }
0xa1: {  	s0 =	sadd.s32 @!p0 $0x100000, s0;
	[bflag:$0x2] =	sbarrier.arrive $0xFFFF  }
0xa2: {  	[sflag:s0] =	ssyncadd.tile.s32 @!p0 $0x1;
	_ =	shalt  }
.Lfunc_end2:
_tile_overlayer_lowered:
.L_overlay_start_2:
0xa3: {  	(tag) =	ssettag $0x2  }
0xa4: {  	s0 =	rddreg [dreg:$0x0];
	s2 =	stileid.u32  }
0xa5: {  	s1 =	rddreg [dreg:$0x1];
	p0 =	sne.s32 s2, $0x0  }
0xa6: {  	s3 =	rddreg [dreg:$0x2];
	[bflag:$0x3] =	sbarrier.arrive $0xFFFF;
	s2 =	simm.s32 @!p0 $0x1C02  }
0xa7: {  	[timem:s3], [sflag:s2] =	dma.local @!p0 [hbm:s0], s1  }
0xa8: {  	s0 =	simm.s32 @!p0 $0x2  }
0xa9: {  	_ =	swait.ge @!p0 [sflag:s0], s1  }
0xaa: {  	s1 =	ssub.s32 @!p0 $0x0, s1;
	[sflag:s0] =	ssyncset.done @!p0 $0x0  }
0xab: {  	[sflag:s0] =	ssyncadd.s32 @!p0 s1  }
0xac: {  	[bflag:$0x3] =	sbarrier.arrive $0xFFFF  }
0xad: {  	_ =	shalt  }

</sc_bundles>
